<compile_context>
chip_gen: v7x
topology: tpu7x:2x2x1
jax: 0.10.2.dev20260603
libtpu: 0.0.44.dev20260713+nightly
codegen_flags: <defaults>
</compile_context>

<pallas_src>
import functools

import jax
import jax.numpy as jnp
from jax import lax
from jax.experimental import pallas as pl
from jax.experimental.pallas import tpu as pltpu
from jax.experimental.pallas import tpu_sc as plsc

T = 16384
E = 64
D = 64
W = 128
WROWS = T * E * D // W
NC, NS = 2, 16
NW = NC * NS
WROWS_W = WROWS // NW
CHUNK = 256
NCHUNK = WROWS_W // CHUNK
NBUF = 2


def _copy_body(x_hbm, out_hbm, shr, *sems):
    gsem, wsem = sems[:NBUF], sems[NBUF:]
    cid = lax.axis_index("c")
    sid = lax.axis_index("s")
    wid = sid * NC + cid
    rbase0 = wid * WROWS_W

    def fill(b, ci):
        rbase = rbase0 + ci * CHUNK
        return pltpu.make_async_copy(
            x_hbm.at[pl.ds(rbase, CHUNK)], shr.at[sid, b], gsem[b])

    def writeback(b, ci):
        rbase = rbase0 + ci * CHUNK
        return pltpu.make_async_copy(
            shr.at[sid, b], out_hbm.at[pl.ds(rbase, CHUNK)], wsem[b])

    for b in range(NBUF):
        fill(b, b).start()

    def group_body(g, carry):
        for b in range(NBUF):
            fill(b, g * NBUF + b).wait()
            writeback(b, g * NBUF + b).start()
        for b in range(NBUF):
            writeback(b, g * NBUF + b).wait()
            fill(b, (g + 1) * NBUF + b).start()
        return carry

    lax.fori_loop(0, NCHUNK // NBUF - 1, group_body, 0)

    g_last = NCHUNK // NBUF - 1
    for b in range(NBUF):
        fill(b, g_last * NBUF + b).wait()
        writeback(b, g_last * NBUF + b).start()
    for b in range(NBUF):
        writeback(b, g_last * NBUF + b).wait()


def kernel(x):
    x2 = x.reshape(WROWS, W)
    mesh = plsc.VectorSubcoreMesh(core_axis_name="c", subcore_axis_name="s")
    run = functools.partial(
        pl.kernel,
        mesh=mesh,
        out_type=jax.ShapeDtypeStruct((WROWS, W), jnp.float32),
        scratch_types=[
            pltpu.VMEM_SHARED((NS, NBUF, CHUNK, W), jnp.float32),
        ] + [pltpu.SemaphoreType.DMA] * (2 * NBUF),
    )(_copy_body)
    y2 = run(x2)
    return y2.reshape(T, E, D)

# --- scband reference (transcript-rebuilt; emitter-appended) ---
"""Pipeline reference for scband-unpermute-120259084969 (READ-ONLY COPY).

The authoritative reference and input builder live on the scoring server;
editing this copy changes nothing except your own understanding.
"""

import jax, jax.numpy as jnp
import numpy as np

# init constant: indices passed to __init__ is the reversal permutation of length 64
# unperm = argmax(inverse(one_hot(indices))) == argsort(indices) for a permutation

def setup_inputs(seed: int = 0) -> dict:
    key = jax.random.key(seed)
    x = jax.random.normal(key, (16384, 64, 64), dtype=jnp.float32)
    return {"x": x}


def reference(x):
    indices = jnp.arange(63, -1, -1, dtype=jnp.int32)
    # perm_matrix = one_hot(indices); its inverse is its transpose (permutation matrix),
    # and argmax(dim=-1) of that inverse equals argsort(indices).
    unperm = jnp.argsort(indices)
    return jnp.take(x, unperm, axis=1)

if __name__ == "__main__":
    import jax
    _d = setup_inputs()
    print(jax.jit(kernel)(*tuple(_d.values())))

</pallas_src>

<mosaic_0001>
#map = affine_map<(d0, d1) -> (0, 0)>
module attributes {stable_mosaic.version = 14 : i64} {
  func.func @_copy_body(%arg0: i32, %arg1: i32, %arg2: memref<524288x128xf32, #tpu.memory_space<hbm>>, %arg3: memref<524288x128xf32, #tpu.memory_space<hbm>>, %arg4: memref<16x2x256x128xf32, #tpu.memory_space<vmem_shared>>, %arg5: memref<!tpu.dma_semaphore, #tpu.memory_space<semaphore_mem>>, %arg6: memref<!tpu.dma_semaphore, #tpu.memory_space<semaphore_mem>>, %arg7: memref<!tpu.dma_semaphore, #tpu.memory_space<semaphore_mem>>, %arg8: memref<!tpu.dma_semaphore, #tpu.memory_space<semaphore_mem>>) attributes {dimension_semantics = [#tpu.dimension_semantics<core_parallel>, #tpu.dimension_semantics<subcore_parallel>], iteration_bounds = array<i64: 2, 16>, scalar_prefetch = 0 : i64, scratch_operands = 5 : i64, tpu.core_type = #tpu.core_type<sc_vector_subcore>, window_params = [{transform_indices = #map}, {transform_indices = #map}]} {
    %mul3A = arith.constant 2 : i32
    %mul3A_0 = arith.muli %arg1, %mul3A : i32
    %add3A = arith.addi %mul3A_0, %arg0 : i32
    %mul3A_1 = arith.constant 16384 : i32
    %mul3A_2 = arith.muli %add3A, %mul3A_1 : i32
    %add3A_3 = arith.constant 0 : i32
    %add3A_4 = arith.addi %mul3A_2, %add3A_3 : i32
    %dma_start3A = arith.constant 0 : i32
    %dma_start3A_5 = arith.constant 0 : i32
    %dma_start3A_6 = arith.constant 0 : i32
    %dma_start3A_7 = tpu.memref_slice %arg4[%arg1, %dma_start3A, %dma_start3A_5, %dma_start3A_6] : memref<16x2x256x128xf32, #tpu.memory_space<vmem_shared>> -> memref<1x1x256x128xf32, #tpu.memory_space<vmem_shared>>
    %dma_start3A_8 = tpu.memref_squeeze %dma_start3A_7 : memref<1x1x256x128xf32, #tpu.memory_space<vmem_shared>> -> memref<256x128xf32, #tpu.memory_space<vmem_shared>>
    %dma_start3A_9 = arith.constant 0 : i32
    %dma_start3A_10 = tpu.memref_slice %arg2[%add3A_4, %dma_start3A_9] : memref<524288x128xf32, #tpu.memory_space<hbm>> -> memref<256x128xf32, #tpu.memory_space<hbm>>
    tpu.enqueue_dma source(%dma_start3A_10 : memref<256x128xf32, #tpu.memory_space<hbm>>) target(%dma_start3A_8 : memref<256x128xf32, #tpu.memory_space<vmem_shared>>) target_semaphore(%arg5 : memref<!tpu.dma_semaphore, #tpu.memory_space<semaphore_mem>>)
    %add3A_11 = arith.constant 256 : i32
    %add3A_12 = arith.addi %mul3A_2, %add3A_11 : i32
    %dma_start3A_13 = arith.constant 1 : i32
    %dma_start3A_14 = arith.constant 0 : i32
    %dma_start3A_15 = arith.constant 0 : i32
    %dma_start3A_16 = tpu.memref_slice %arg4[%arg1, %dma_start3A_13, %dma_start3A_14, %dma_start3A_15] : memref<16x2x256x128xf32, #tpu.memory_space<vmem_shared>> -> memref<1x1x256x128xf32, #tpu.memory_space<vmem_shared>>
    %dma_start3A_17 = tpu.memref_squeeze %dma_start3A_16 : memref<1x1x256x128xf32, #tpu.memory_space<vmem_shared>> -> memref<256x128xf32, #tpu.memory_space<vmem_shared>>
    %dma_start3A_18 = arith.constant 0 : i32
    %dma_start3A_19 = tpu.memref_slice %arg2[%add3A_12, %dma_start3A_18] : memref<524288x128xf32, #tpu.memory_space<hbm>> -> memref<256x128xf32, #tpu.memory_space<hbm>>
    tpu.enqueue_dma source(%dma_start3A_19 : memref<256x128xf32, #tpu.memory_space<hbm>>) target(%dma_start3A_17 : memref<256x128xf32, #tpu.memory_space<vmem_shared>>) target_semaphore(%arg6 : memref<!tpu.dma_semaphore, #tpu.memory_space<semaphore_mem>>)
    %scan3A = arith.constant 0 : i32
    %scan3A_20 = arith.constant 0 : i32
    %scan3A_21 = arith.constant 31 : i32
    %scan3A_22 = arith.addi %scan3A_20, %scan3A_21 : i32
    %scan3A_23 = arith.constant 1 : i32
    scf.for %scan3A_78 = %scan3A_20 to %scan3A_22 step %scan3A_23  : i32 {
      %mul3A_79 = arith.constant 2 : i32
      %mul3A_80 = arith.muli %scan3A_78, %mul3A_79 : i32
      %add3A_81 = arith.constant 0 : i32
      %add3A_82 = arith.addi %mul3A_80, %add3A_81 : i32
      %mul3A_83 = arith.constant 256 : i32
      %mul3A_84 = arith.muli %add3A_82, %mul3A_83 : i32
      %add3A_85 = arith.addi %mul3A_2, %mul3A_84 : i32
      %dma_wait3A_86 = arith.constant 0 : i32
      %dma_wait3A_87 = arith.constant 0 : i32
      %dma_wait3A_88 = arith.constant 0 : i32
      %dma_wait3A_89 = tpu.memref_slice %arg4[%arg1, %dma_wait3A_86, %dma_wait3A_87, %dma_wait3A_88] : memref<16x2x256x128xf32, #tpu.memory_space<vmem_shared>> -> memref<1x1x256x128xf32, #tpu.memory_space<vmem_shared>>
      %dma_wait3A_90 = tpu.memref_squeeze %dma_wait3A_89 : memref<1x1x256x128xf32, #tpu.memory_space<vmem_shared>> -> memref<256x128xf32, #tpu.memory_space<vmem_shared>>
      %dma_wait3A_91 = arith.constant 0 : i32
      %dma_wait3A_92 = tpu.memref_slice %arg2[%add3A_85, %dma_wait3A_91] : memref<524288x128xf32, #tpu.memory_space<hbm>> -> memref<256x128xf32, #tpu.memory_space<hbm>>
      tpu.wait_dma2 semaphore(%arg5 : memref<!tpu.dma_semaphore, #tpu.memory_space<semaphore_mem>>) src(%dma_wait3A_92 : memref<256x128xf32, #tpu.memory_space<hbm>>) dst(%dma_wait3A_90 : memref<256x128xf32, #tpu.memory_space<vmem_shared>>)
      %mul3A_93 = arith.constant 2 : i32
      %mul3A_94 = arith.muli %scan3A_78, %mul3A_93 : i32
      %add3A_95 = arith.constant 0 : i32
      %add3A_96 = arith.addi %mul3A_94, %add3A_95 : i32
      %mul3A_97 = arith.constant 256 : i32
      %mul3A_98 = arith.muli %add3A_96, %mul3A_97 : i32
      %add3A_99 = arith.addi %mul3A_2, %mul3A_98 : i32
      %dma_start3A_100 = arith.constant 0 : i32
      %dma_start3A_101 = arith.constant 0 : i32
      %dma_start3A_102 = tpu.memref_slice %arg3[%add3A_99, %dma_start3A_101] : memref<524288x128xf32, #tpu.memory_space<hbm>> -> memref<256x128xf32, #tpu.memory_space<hbm>>
      %dma_start3A_103 = arith.constant 0 : i32
      %dma_start3A_104 = arith.constant 0 : i32
      %dma_start3A_105 = tpu.memref_slice %arg4[%arg1, %dma_start3A_100, %dma_start3A_103, %dma_start3A_104] : memref<16x2x256x128xf32, #tpu.memory_space<vmem_shared>> -> memref<1x1x256x128xf32, #tpu.memory_space<vmem_shared>>
      %dma_start3A_106 = tpu.memref_squeeze %dma_start3A_105 : memref<1x1x256x128xf32, #tpu.memory_space<vmem_shared>> -> memref<256x128xf32, #tpu.memory_space<vmem_shared>>
      tpu.enqueue_dma source(%dma_start3A_106 : memref<256x128xf32, #tpu.memory_space<vmem_shared>>) target(%dma_start3A_102 : memref<256x128xf32, #tpu.memory_space<hbm>>) target_semaphore(%arg7 : memref<!tpu.dma_semaphore, #tpu.memory_space<semaphore_mem>>)
      %mul3A_107 = arith.constant 2 : i32
      %mul3A_108 = arith.muli %scan3A_78, %mul3A_107 : i32
      %add3A_109 = arith.constant 1 : i32
      %add3A_110 = arith.addi %mul3A_108, %add3A_109 : i32
      %mul3A_111 = arith.constant 256 : i32
      %mul3A_112 = arith.muli %add3A_110, %mul3A_111 : i32
      %add3A_113 = arith.addi %mul3A_2, %mul3A_112 : i32
      %dma_wait3A_114 = arith.constant 1 : i32
      %dma_wait3A_115 = arith.constant 0 : i32
      %dma_wait3A_116 = arith.constant 0 : i32
      %dma_wait3A_117 = tpu.memref_slice %arg4[%arg1, %dma_wait3A_114, %dma_wait3A_115, %dma_wait3A_116] : memref<16x2x256x128xf32, #tpu.memory_space<vmem_shared>> -> memref<1x1x256x128xf32, #tpu.memory_space<vmem_shared>>
      %dma_wait3A_118 = tpu.memref_squeeze %dma_wait3A_117 : memref<1x1x256x128xf32, #tpu.memory_space<vmem_shared>> -> memref<256x128xf32, #tpu.memory_space<vmem_shared>>
      %dma_wait3A_119 = arith.constant 0 : i32
      %dma_wait3A_120 = tpu.memref_slice %arg2[%add3A_113, %dma_wait3A_119] : memref<524288x128xf32, #tpu.memory_space<hbm>> -> memref<256x128xf32, #tpu.memory_space<hbm>>
      tpu.wait_dma2 semaphore(%arg6 : memref<!tpu.dma_semaphore, #tpu.memory_space<semaphore_mem>>) src(%dma_wait3A_120 : memref<256x128xf32, #tpu.memory_space<hbm>>) dst(%dma_wait3A_118 : memref<256x128xf32, #tpu.memory_space<vmem_shared>>)
      %mul3A_121 = arith.constant 2 : i32
      %mul3A_122 = arith.muli %scan3A_78, %mul3A_121 : i32
      %add3A_123 = arith.constant 1 : i32
      %add3A_124 = arith.addi %mul3A_122, %add3A_123 : i32
      %mul3A_125 = arith.constant 256 : i32
      %mul3A_126 = arith.muli %add3A_124, %mul3A_125 : i32
      %add3A_127 = arith.addi %mul3A_2, %mul3A_126 : i32
      %dma_start3A_128 = arith.constant 1 : i32
      %dma_start3A_129 = arith.constant 0 : i32
      %dma_start3A_130 = tpu.memref_slice %arg3[%add3A_127, %dma_start3A_129] : memref<524288x128xf32, #tpu.memory_space<hbm>> -> memref<256x128xf32, #tpu.memory_space<hbm>>
      %dma_start3A_131 = arith.constant 0 : i32
      %dma_start3A_132 = arith.constant 0 : i32
      %dma_start3A_133 = tpu.memref_slice %arg4[%arg1, %dma_start3A_128, %dma_start3A_131, %dma_start3A_132] : memref<16x2x256x128xf32, #tpu.memory_space<vmem_shared>> -> memref<1x1x256x128xf32, #tpu.memory_space<vmem_shared>>
      %dma_start3A_134 = tpu.memref_squeeze %dma_start3A_133 : memref<1x1x256x128xf32, #tpu.memory_space<vmem_shared>> -> memref<256x128xf32, #tpu.memory_space<vmem_shared>>
      tpu.enqueue_dma source(%dma_start3A_134 : memref<256x128xf32, #tpu.memory_space<vmem_shared>>) target(%dma_start3A_130 : memref<256x128xf32, #tpu.memory_space<hbm>>) target_semaphore(%arg8 : memref<!tpu.dma_semaphore, #tpu.memory_space<semaphore_mem>>)
      %mul3A_135 = arith.constant 2 : i32
      %mul3A_136 = arith.muli %scan3A_78, %mul3A_135 : i32
      %add3A_137 = arith.constant 0 : i32
      %add3A_138 = arith.addi %mul3A_136, %add3A_137 : i32
      %mul3A_139 = arith.constant 256 : i32
      %mul3A_140 = arith.muli %add3A_138, %mul3A_139 : i32
      %add3A_141 = arith.addi %mul3A_2, %mul3A_140 : i32
      %dma_wait3A_142 = arith.constant 0 : i32
      %dma_wait3A_143 = arith.constant 0 : i32
      %dma_wait3A_144 = tpu.memref_slice %arg3[%add3A_141, %dma_wait3A_143] : memref<524288x128xf32, #tpu.memory_space<hbm>> -> memref<256x128xf32, #tpu.memory_space<hbm>>
      %dma_wait3A_145 = arith.constant 0 : i32
      %dma_wait3A_146 = arith.constant 0 : i32
      %dma_wait3A_147 = tpu.memref_slice %arg4[%arg1, %dma_wait3A_142, %dma_wait3A_145, %dma_wait3A_146] : memref<16x2x256x128xf32, #tpu.memory_space<vmem_shared>> -> memref<1x1x256x128xf32, #tpu.memory_space<vmem_shared>>
      %dma_wait3A_148 = tpu.memref_squeeze %dma_wait3A_147 : memref<1x1x256x128xf32, #tpu.memory_space<vmem_shared>> -> memref<256x128xf32, #tpu.memory_space<vmem_shared>>
      tpu.wait_dma2 semaphore(%arg7 : memref<!tpu.dma_semaphore, #tpu.memory_space<semaphore_mem>>) src(%dma_wait3A_148 : memref<256x128xf32, #tpu.memory_space<vmem_shared>>) dst(%dma_wait3A_144 : memref<256x128xf32, #tpu.memory_space<hbm>>)
      %add3A_149 = arith.constant 1 : i32
      %add3A_150 = arith.addi %scan3A_78, %add3A_149 : i32
      %mul3A_151 = arith.constant 2 : i32
      %mul3A_152 = arith.muli %add3A_150, %mul3A_151 : i32
      %add3A_153 = arith.constant 0 : i32
      %add3A_154 = arith.addi %mul3A_152, %add3A_153 : i32
      %mul3A_155 = arith.constant 256 : i32
      %mul3A_156 = arith.muli %add3A_154, %mul3A_155 : i32
      %add3A_157 = arith.addi %mul3A_2, %mul3A_156 : i32
      %dma_start3A_158 = arith.constant 0 : i32
      %dma_start3A_159 = arith.constant 0 : i32
      %dma_start3A_160 = arith.constant 0 : i32
      %dma_start3A_161 = tpu.memref_slice %arg4[%arg1, %dma_start3A_158, %dma_start3A_159, %dma_start3A_160] : memref<16x2x256x128xf32, #tpu.memory_space<vmem_shared>> -> memref<1x1x256x128xf32, #tpu.memory_space<vmem_shared>>
      %dma_start3A_162 = tpu.memref_squeeze %dma_start3A_161 : memref<1x1x256x128xf32, #tpu.memory_space<vmem_shared>> -> memref<256x128xf32, #tpu.memory_space<vmem_shared>>
      %dma_start3A_163 = arith.constant 0 : i32
      %dma_start3A_164 = tpu.memref_slice %arg2[%add3A_157, %dma_start3A_163] : memref<524288x128xf32, #tpu.memory_space<hbm>> -> memref<256x128xf32, #tpu.memory_space<hbm>>
      tpu.enqueue_dma source(%dma_start3A_164 : memref<256x128xf32, #tpu.memory_space<hbm>>) target(%dma_start3A_162 : memref<256x128xf32, #tpu.memory_space<vmem_shared>>) target_semaphore(%arg5 : memref<!tpu.dma_semaphore, #tpu.memory_space<semaphore_mem>>)
      %mul3A_165 = arith.constant 2 : i32
      %mul3A_166 = arith.muli %scan3A_78, %mul3A_165 : i32
      %add3A_167 = arith.constant 1 : i32
      %add3A_168 = arith.addi %mul3A_166, %add3A_167 : i32
      %mul3A_169 = arith.constant 256 : i32
      %mul3A_170 = arith.muli %add3A_168, %mul3A_169 : i32
      %add3A_171 = arith.addi %mul3A_2, %mul3A_170 : i32
      %dma_wait3A_172 = arith.constant 1 : i32
      %dma_wait3A_173 = arith.constant 0 : i32
      %dma_wait3A_174 = tpu.memref_slice %arg3[%add3A_171, %dma_wait3A_173] : memref<524288x128xf32, #tpu.memory_space<hbm>> -> memref<256x128xf32, #tpu.memory_space<hbm>>
      %dma_wait3A_175 = arith.constant 0 : i32
      %dma_wait3A_176 = arith.constant 0 : i32
      %dma_wait3A_177 = tpu.memref_slice %arg4[%arg1, %dma_wait3A_172, %dma_wait3A_175, %dma_wait3A_176] : memref<16x2x256x128xf32, #tpu.memory_space<vmem_shared>> -> memref<1x1x256x128xf32, #tpu.memory_space<vmem_shared>>
      %dma_wait3A_178 = tpu.memref_squeeze %dma_wait3A_177 : memref<1x1x256x128xf32, #tpu.memory_space<vmem_shared>> -> memref<256x128xf32, #tpu.memory_space<vmem_shared>>
      tpu.wait_dma2 semaphore(%arg8 : memref<!tpu.dma_semaphore, #tpu.memory_space<semaphore_mem>>) src(%dma_wait3A_178 : memref<256x128xf32, #tpu.memory_space<vmem_shared>>) dst(%dma_wait3A_174 : memref<256x128xf32, #tpu.memory_space<hbm>>)
      %add3A_179 = arith.constant 1 : i32
      %add3A_180 = arith.addi %scan3A_78, %add3A_179 : i32
      %mul3A_181 = arith.constant 2 : i32
      %mul3A_182 = arith.muli %add3A_180, %mul3A_181 : i32
      %add3A_183 = arith.constant 1 : i32
      %add3A_184 = arith.addi %mul3A_182, %add3A_183 : i32
      %mul3A_185 = arith.constant 256 : i32
      %mul3A_186 = arith.muli %add3A_184, %mul3A_185 : i32
      %add3A_187 = arith.addi %mul3A_2, %mul3A_186 : i32
      %dma_start3A_188 = arith.constant 1 : i32
      %dma_start3A_189 = arith.constant 0 : i32
      %dma_start3A_190 = arith.constant 0 : i32
      %dma_start3A_191 = tpu.memref_slice %arg4[%arg1, %dma_start3A_188, %dma_start3A_189, %dma_start3A_190] : memref<16x2x256x128xf32, #tpu.memory_space<vmem_shared>> -> memref<1x1x256x128xf32, #tpu.memory_space<vmem_shared>>
      %dma_start3A_192 = tpu.memref_squeeze %dma_start3A_191 : memref<1x1x256x128xf32, #tpu.memory_space<vmem_shared>> -> memref<256x128xf32, #tpu.memory_space<vmem_shared>>
      %dma_start3A_193 = arith.constant 0 : i32
      %dma_start3A_194 = tpu.memref_slice %arg2[%add3A_187, %dma_start3A_193] : memref<524288x128xf32, #tpu.memory_space<hbm>> -> memref<256x128xf32, #tpu.memory_space<hbm>>
      tpu.enqueue_dma source(%dma_start3A_194 : memref<256x128xf32, #tpu.memory_space<hbm>>) target(%dma_start3A_192 : memref<256x128xf32, #tpu.memory_space<vmem_shared>>) target_semaphore(%arg6 : memref<!tpu.dma_semaphore, #tpu.memory_space<semaphore_mem>>)
    }
    %scan3A_24 = arith.constant 31 : i32
    %add3A_25 = arith.constant 15872 : i32
    %add3A_26 = arith.addi %mul3A_2, %add3A_25 : i32
    %dma_wait3A = arith.constant 0 : i32
    %dma_wait3A_27 = arith.constant 0 : i32
    %dma_wait3A_28 = arith.constant 0 : i32
    %dma_wait3A_29 = tpu.memref_slice %arg4[%arg1, %dma_wait3A, %dma_wait3A_27, %dma_wait3A_28] : memref<16x2x256x128xf32, #tpu.memory_space<vmem_shared>> -> memref<1x1x256x128xf32, #tpu.memory_space<vmem_shared>>
    %dma_wait3A_30 = tpu.memref_squeeze %dma_wait3A_29 : memref<1x1x256x128xf32, #tpu.memory_space<vmem_shared>> -> memref<256x128xf32, #tpu.memory_space<vmem_shared>>
    %dma_wait3A_31 = arith.constant 0 : i32
    %dma_wait3A_32 = tpu.memref_slice %arg2[%add3A_26, %dma_wait3A_31] : memref<524288x128xf32, #tpu.memory_space<hbm>> -> memref<256x128xf32, #tpu.memory_space<hbm>>
    tpu.wait_dma2 semaphore(%arg5 : memref<!tpu.dma_semaphore, #tpu.memory_space<semaphore_mem>>) src(%dma_wait3A_32 : memref<256x128xf32, #tpu.memory_space<hbm>>) dst(%dma_wait3A_30 : memref<256x128xf32, #tpu.memory_space<vmem_shared>>)
    %add3A_33 = arith.constant 15872 : i32
    %add3A_34 = arith.addi %mul3A_2, %add3A_33 : i32
    %dma_start3A_35 = arith.constant 0 : i32
    %dma_start3A_36 = arith.constant 0 : i32
    %dma_start3A_37 = tpu.memref_slice %arg3[%add3A_34, %dma_start3A_36] : memref<524288x128xf32, #tpu.memory_space<hbm>> -> memref<256x128xf32, #tpu.memory_space<hbm>>
    %dma_start3A_38 = arith.constant 0 : i32
    %dma_start3A_39 = arith.constant 0 : i32
    %dma_start3A_40 = tpu.memref_slice %arg4[%arg1, %dma_start3A_35, %dma_start3A_38, %dma_start3A_39] : memref<16x2x256x128xf32, #tpu.memory_space<vmem_shared>> -> memref<1x1x256x128xf32, #tpu.memory_space<vmem_shared>>
    %dma_start3A_41 = tpu.memref_squeeze %dma_start3A_40 : memref<1x1x256x128xf32, #tpu.memory_space<vmem_shared>> -> memref<256x128xf32, #tpu.memory_space<vmem_shared>>
    tpu.enqueue_dma source(%dma_start3A_41 : memref<256x128xf32, #tpu.memory_space<vmem_shared>>) target(%dma_start3A_37 : memref<256x128xf32, #tpu.memory_space<hbm>>) target_semaphore(%arg7 : memref<!tpu.dma_semaphore, #tpu.memory_space<semaphore_mem>>)
    %add3A_42 = arith.constant 16128 : i32
    %add3A_43 = arith.addi %mul3A_2, %add3A_42 : i32
    %dma_wait3A_44 = arith.constant 1 : i32
    %dma_wait3A_45 = arith.constant 0 : i32
    %dma_wait3A_46 = arith.constant 0 : i32
    %dma_wait3A_47 = tpu.memref_slice %arg4[%arg1, %dma_wait3A_44, %dma_wait3A_45, %dma_wait3A_46] : memref<16x2x256x128xf32, #tpu.memory_space<vmem_shared>> -> memref<1x1x256x128xf32, #tpu.memory_space<vmem_shared>>
    %dma_wait3A_48 = tpu.memref_squeeze %dma_wait3A_47 : memref<1x1x256x128xf32, #tpu.memory_space<vmem_shared>> -> memref<256x128xf32, #tpu.memory_space<vmem_shared>>
    %dma_wait3A_49 = arith.constant 0 : i32
    %dma_wait3A_50 = tpu.memref_slice %arg2[%add3A_43, %dma_wait3A_49] : memref<524288x128xf32, #tpu.memory_space<hbm>> -> memref<256x128xf32, #tpu.memory_space<hbm>>
    tpu.wait_dma2 semaphore(%arg6 : memref<!tpu.dma_semaphore, #tpu.memory_space<semaphore_mem>>) src(%dma_wait3A_50 : memref<256x128xf32, #tpu.memory_space<hbm>>) dst(%dma_wait3A_48 : memref<256x128xf32, #tpu.memory_space<vmem_shared>>)
    %add3A_51 = arith.constant 16128 : i32
    %add3A_52 = arith.addi %mul3A_2, %add3A_51 : i32
    %dma_start3A_53 = arith.constant 1 : i32
    %dma_start3A_54 = arith.constant 0 : i32
    %dma_start3A_55 = tpu.memref_slice %arg3[%add3A_52, %dma_start3A_54] : memref<524288x128xf32, #tpu.memory_space<hbm>> -> memref<256x128xf32, #tpu.memory_space<hbm>>
    %dma_start3A_56 = arith.constant 0 : i32
    %dma_start3A_57 = arith.constant 0 : i32
    %dma_start3A_58 = tpu.memref_slice %arg4[%arg1, %dma_start3A_53, %dma_start3A_56, %dma_start3A_57] : memref<16x2x256x128xf32, #tpu.memory_space<vmem_shared>> -> memref<1x1x256x128xf32, #tpu.memory_space<vmem_shared>>
    %dma_start3A_59 = tpu.memref_squeeze %dma_start3A_58 : memref<1x1x256x128xf32, #tpu.memory_space<vmem_shared>> -> memref<256x128xf32, #tpu.memory_space<vmem_shared>>
    tpu.enqueue_dma source(%dma_start3A_59 : memref<256x128xf32, #tpu.memory_space<vmem_shared>>) target(%dma_start3A_55 : memref<256x128xf32, #tpu.memory_space<hbm>>) target_semaphore(%arg8 : memref<!tpu.dma_semaphore, #tpu.memory_space<semaphore_mem>>)
    %add3A_60 = arith.constant 15872 : i32
    %add3A_61 = arith.addi %mul3A_2, %add3A_60 : i32
    %dma_wait3A_62 = arith.constant 0 : i32
    %dma_wait3A_63 = arith.constant 0 : i32
    %dma_wait3A_64 = tpu.memref_slice %arg3[%add3A_61, %dma_wait3A_63] : memref<524288x128xf32, #tpu.memory_space<hbm>> -> memref<256x128xf32, #tpu.memory_space<hbm>>
    %dma_wait3A_65 = arith.constant 0 : i32
    %dma_wait3A_66 = arith.constant 0 : i32
    %dma_wait3A_67 = tpu.memref_slice %arg4[%arg1, %dma_wait3A_62, %dma_wait3A_65, %dma_wait3A_66] : memref<16x2x256x128xf32, #tpu.memory_space<vmem_shared>> -> memref<1x1x256x128xf32, #tpu.memory_space<vmem_shared>>
    %dma_wait3A_68 = tpu.memref_squeeze %dma_wait3A_67 : memref<1x1x256x128xf32, #tpu.memory_space<vmem_shared>> -> memref<256x128xf32, #tpu.memory_space<vmem_shared>>
    tpu.wait_dma2 semaphore(%arg7 : memref<!tpu.dma_semaphore, #tpu.memory_space<semaphore_mem>>) src(%dma_wait3A_68 : memref<256x128xf32, #tpu.memory_space<vmem_shared>>) dst(%dma_wait3A_64 : memref<256x128xf32, #tpu.memory_space<hbm>>)
    %add3A_69 = arith.constant 16128 : i32
    %add3A_70 = arith.addi %mul3A_2, %add3A_69 : i32
    %dma_wait3A_71 = arith.constant 1 : i32
    %dma_wait3A_72 = arith.constant 0 : i32
    %dma_wait3A_73 = tpu.memref_slice %arg3[%add3A_70, %dma_wait3A_72] : memref<524288x128xf32, #tpu.memory_space<hbm>> -> memref<256x128xf32, #tpu.memory_space<hbm>>
    %dma_wait3A_74 = arith.constant 0 : i32
    %dma_wait3A_75 = arith.constant 0 : i32
    %dma_wait3A_76 = tpu.memref_slice %arg4[%arg1, %dma_wait3A_71, %dma_wait3A_74, %dma_wait3A_75] : memref<16x2x256x128xf32, #tpu.memory_space<vmem_shared>> -> memref<1x1x256x128xf32, #tpu.memory_space<vmem_shared>>
    %dma_wait3A_77 = tpu.memref_squeeze %dma_wait3A_76 : memref<1x1x256x128xf32, #tpu.memory_space<vmem_shared>> -> memref<256x128xf32, #tpu.memory_space<vmem_shared>>
    tpu.wait_dma2 semaphore(%arg8 : memref<!tpu.dma_semaphore, #tpu.memory_space<semaphore_mem>>) src(%dma_wait3A_77 : memref<256x128xf32, #tpu.memory_space<vmem_shared>>) dst(%dma_wait3A_73 : memref<256x128xf32, #tpu.memory_space<hbm>>)
    return
  }
}

</mosaic_0001>

<sc_bundles>
// kernel: kernel.3.cloned.1.call-start
scs
__scs_entry_jumppad:
0x0: {  	(pc) =	sbr.rel $0x88, $3  }
0x1: {  	(tag) =	ssettag $0x0;
	lr =	simm.s32 $0x1  }
0x2: {  	[smem:$0x3FA0] =	sst lr;
	_ =	strace $0xD0000000  }
0x3: {  	_ = 	snop  }
0x4: {  	_ = 	snop  }
0x5: {  	_ = 	snop  }
0x6: {  	_ = 	snop  }
0x7: {  	_ = 	snop  }
__scs_overlays_trampoline_lowered:
0x8: {  	[smem:$0x3FAF] =	sst s0  }
0x9: {  	[smem:$0x3FB0] =	sst s1  }
0xa: {  	[smem:$0x3FB1] =	sst s2  }
0xb: {  	[smem:$0x3FB2] =	sst s3  }
0xc: {  	[smem:$0x3FB3] =	sst s4  }
0xd: {  	[smem:$0x3FB4] =	sst s5  }
0xe: {  	[smem:$0x3FB5] =	sst s6  }
0xf: {  	[smem:$0x3FB6] =	sst s7  }
0x10: {  	[smem:$0x3FB7] =	sst s8  }
0x11: {  	[smem:$0x3FB8] =	sst s9;
	s0 =	simm.s32 @!p0 $0x0  }
0x12: {  	s1 =	sld [smem:$0x3F9E];
	s0 =	simm.s32 @p0 $0x1  }
0x13: {  	[smem:$0x3FB9] =	sst s0;
	s0 =	simm.s32 @!p1 $0x0  }
0x14: {  	s2 =	sld [smem:$0x3F9D];
	s0 =	simm.s32 @p1 $0x1  }
0x15: {  	[smem:$0x3FBA] =	sst s0;
	s0 =	simm.s32 @!p2 $0x0  }
0x16: {  	s3 =	sld [smem:$0x3FDB];
	s0 =	simm.s32 @p2 $0x1  }
0x17: {  	s4 =	simm.s32 $0x1BF5;
	[smem:$0x3FBC] =	sst s0  }
0x18: {  	s0 =	sld [smem:$0x3F9F];
	_ =	swait.ge [sflag:s4], $0x0  }
0x19: {  	s7 =	sld [smem:$0x3FA0]  }
0x1a: {  	s8 =	sadd.s32 $0xFFFFE003, lr  }
0x1b: {  	s9 =	sadd.s32 $0xFFFFFEF7, lr;
	s5 =	simm.s32 $0xFFFFFFFF;
	p2 =	slt.u32 s8, $0xFFFFF086  }
0x1c: {  	p1 =	slt.u32 s9, $0xF7A;
	s5 =	simm.s32 @!p2 $0x0  }
0x1d: {  	s5 =	simm.s32 @p1 $0x1;
	p0 =	seq.s32 s7, s2  }
0x1e: {  	s7 =	smul.u32 @!p0 $0xF7A, s2;
	p2 =	seq.s32 @!p0 s5, $0x0  }
0x1f: {  	s9 =	smul.u32 $0xF7A, s1;
	s8 =	simm.s32 @!p0 $0x1BF5;
	p2 =	por !p2, p0  }
0x20: {  	[sflag:s8] =	ssyncset.s32 @!p0 $0xFFFFF086;
	s6 =	sadd.s32 @!p0 s3, s7;
	s7 =	simm.s32 @!p0 $0x108  }
0x21: {  	s3 =	sadd.s32 s3, s9;
	s6 =	sadd.s32 @!p0 $0x88, s6;
	s7 =	simm.s32 @p2 $0x1082  }
0x22: {  	[simem:s7], [sflag:s8] =	dma.local @!p0 [hbm:s6], $0xF7A  }
0x23: {  	s9 =	sor.u32 $0xD0000000, s2;
	s6 =	simm.s32 $0x108;
	_ =	swait.ge @!p0 [sflag:s8], $0x0  }
0x24: {  	s3 =	sadd.s32 $0x88, s3;
	s6 =	simm.s32 @!p1 $0x1082;
	[sflag:s4] =	ssyncset.s32 $0xFFFFF086  }
0x25: {  	[simem:s6], [sflag:s4] =	dma.local [hbm:s3], $0xF7A  }
0x26: {  	[smem:$0x3FA0] =	sst s1;
	(tag) =	ssettag s2;
	_ =	strace s9  }
0x27: {  	s1 =	sld [smem:$0x3FB0]  }
0x28: {  	s2 =	sld [smem:$0x3FB1]  }
0x29: {  	s4 =	sld [smem:$0x3FB3]  }
0x2a: {  	p0 =	seq.s32 s5, $0x0;
	s5 =	sld [smem:$0x3FB4]  }
0x2b: {  	s6 =	sld [smem:$0x3FB5]  }
0x2c: {  	s7 =	sld [smem:$0x3FB6]  }
0x2d: {  	s3 =	simm.s32 $0x108;
	s8 =	sld [smem:$0x3FB7]  }
0x2e: {  	s3 =	simm.s32 @!p0 $0x1082;
	s9 =	sld [smem:$0x3FB8]  }
0x2f: {  	lr =	sadd.s32 s0, s3;
	s0 =	sld [smem:$0x3FAF]  }
0x30: {  	s3 =	sld [smem:$0x3FB2]  }
0x31: {  	[smem:$0x3FBB] =	sst s10  }
0x32: {  	s10 =	sld [smem:$0x3FB9];
	_ =	sdelay $0x3  }
0x33: {  	p0 =	seq.s32 s10, $0x1;
	s10 =	sld [smem:$0x3FBB];
	_ =	sdelay $0x3  }
0x34: {  	[smem:$0x3FBB] =	sst s10  }
0x35: {  	s10 =	sld [smem:$0x3FBA];
	_ =	sdelay $0x3  }
0x36: {  	p1 =	seq.s32 s10, $0x1;
	s10 =	sld [smem:$0x3FBB];
	_ =	sdelay $0x3  }
0x37: {  	[smem:$0x3FBB] =	sst s10  }
0x38: {  	s10 =	sld [smem:$0x3FBC]  }
0x39: {  	_ = 	snop;
	(pc) =	sbr.ind lr, $3  }
0x3a: {  	_ = 	snop  }
0x3b: {  	_ = 	snop  }
0x3c: {  	p2 =	seq.s32 s10, $0x1;
	s10 =	sld [smem:$0x3FBB]  }
0x3d: {  	_ =	shalt  }
0x3e: {  	_ =	shalt  }
0x3f: {  	_ =	shalt  }
0x40: {  	_ =	shalt  }
0x41: {  	_ =	shalt  }
0x42: {  	_ =	shalt  }
0x43: {  	_ =	shalt  }
0x44: {  	_ =	shalt  }
0x45: {  	_ =	shalt  }
0x46: {  	_ =	shalt  }
0x47: {  	_ =	shalt  }
0x48: {  	_ =	shalt  }
0x49: {  	_ =	shalt  }
0x4a: {  	_ =	shalt  }
0x4b: {  	_ =	shalt  }
0x4c: {  	_ =	shalt  }
0x4d: {  	_ =	shalt  }
0x4e: {  	_ =	shalt  }
0x4f: {  	_ =	shalt  }
0x50: {  	_ =	shalt  }
0x51: {  	_ =	shalt  }
0x52: {  	_ =	shalt  }
0x53: {  	_ =	shalt  }
0x54: {  	_ =	shalt  }
0x55: {  	_ =	shalt  }
0x56: {  	_ =	shalt  }
0x57: {  	_ =	shalt  }
0x58: {  	_ =	shalt  }
0x59: {  	_ =	shalt  }
0x5a: {  	_ =	shalt  }
0x5b: {  	_ =	shalt  }
0x5c: {  	_ =	shalt  }
0x5d: {  	_ =	shalt  }
0x5e: {  	_ =	shalt  }
0x5f: {  	_ =	shalt  }
0x60: {  	_ =	shalt  }
0x61: {  	_ =	shalt  }
0x62: {  	_ =	shalt  }
0x63: {  	_ =	shalt  }
0x64: {  	_ =	shalt  }
0x65: {  	_ =	shalt  }
0x66: {  	_ =	shalt  }
0x67: {  	_ =	shalt  }
0x68: {  	_ =	shalt  }
0x69: {  	_ =	shalt  }
0x6a: {  	_ =	shalt  }
0x6b: {  	_ =	shalt  }
0x6c: {  	_ =	shalt  }
0x6d: {  	_ =	shalt  }
0x6e: {  	_ =	shalt  }
0x6f: {  	_ =	shalt  }
0x70: {  	_ =	shalt  }
0x71: {  	_ =	shalt  }
0x72: {  	_ =	shalt  }
0x73: {  	_ =	shalt  }
0x74: {  	_ =	shalt  }
0x75: {  	_ =	shalt  }
0x76: {  	_ =	shalt  }
0x77: {  	_ =	shalt  }
0x78: {  	_ =	shalt  }
0x79: {  	_ =	shalt  }
0x7a: {  	_ =	shalt  }
0x7b: {  	_ =	shalt  }
0x7c: {  	_ =	shalt  }
0x7d: {  	_ =	shalt  }
0x7e: {  	_ =	shalt  }
0x7f: {  	_ =	shalt  }
0x80: {  	_ =	shalt  }
0x81: {  	_ =	shalt  }
0x82: {  	_ =	shalt  }
0x83: {  	_ =	shalt  }
0x84: {  	_ =	shalt  }
0x85: {  	_ =	shalt  }
0x86: {  	_ =	shalt  }
0x87: {  	_ =	shalt  }
.Lfunc_end0:
.L_simem_size_0:
called_computation.1_lowered:
.L_overlay_start_0:
0x88: {  	s2 =	sld [smem:$0x3FD9]  }
0x89: {  	s3 =	sld [smem:$0x3FFE];
	_ =	sdelay $0x1  }
0x8a: {  	s1 =	srdreg.scid  }
0x8b: {  	s0 =	sand.u32 $0x1, s1  }
0x8c: {  	s17 =	sshll.u32 s0, $0xA;
	s2 =	sadd.s32 s3, s2  }
0x8d: {  	s2 =	sadd.s32 s2, s17  }
0x8e: {  	[smem:$0x3FC7] =	sst s2  }
0x8f: {  	_ = 	snop  }
0x90: {  	s2 =	sld [smem:$0x3FD0];
	(tm) =	ssettm $0x1  }
0x91: {  	s18 =	sld [smem:$0x3FFB];
	_ =	sdelay $0x3  }
0x92: {  	_ =	strace s18  }
0x93: {  	s3 =	sld [smem:$0x3FFC];
	_ =	sdelay $0x3  }
0x94: {  	_ =	strace s3  }
0x95: {  	s3 =	sld [smem:$0x3FFD];
	_ =	sdelay $0x3  }
0x96: {  	_ =	strace s3  }
0x97: {  	_ =	strace $0x8FFFFFFF  }
0x98: {  	s19 =	sld [smem:$0x3FDB];
	_ =	sdelay $0x1  }
0x99: {  	s4 =	simm.s32 $_scs_section_size  }
0x9a: {  	s5 =	simm.s32 $_size__tile_overlayer_lowered;
	s6 =	simm.s32 $_tile_overlayer_lowered  }
0x9b: {  	s22 =	simm.s32 $0x1BFF;
	s21 =	sshll.u32 s6, $0x1;
	s3 =	sadd.s32 s4, s19  }
0x9c: {  	s7 =	simm.s32 $0x0;
	s20 =	sshll.u32 s5, $0x1;
	s5 =	sadd.s32 s21, s3  }
0x9d: {  	[timem:s7], [sflag:s22] =	dma.local [hbm:s5], s20  }
0x9e: {  	_ =	swait.ge [sflag:s22], s20  }
0x9f: {  	s4 =	ssub.s32 $0x0, s20;
	[sflag:s22] =	ssyncset.done $0x0  }
0xa0: {  	[sflag:s22] =	ssyncadd.s32 s4;
	_ =	sdelay $0x1  }
0xa1: {  	s23 =	simm.s32 $0x1B8B  }
0xa2: {  	_ =	swait.ge [sflag:s23], $0x1  }
0xa3: {  	[sflag:s23] =	ssyncset.done $0x0  }
0xa4: {  	s25 =	simm.s32 $0x1B8E;
	s24 =	sld [smem:$0x3FFE];
	[sflag:s23] =	ssyncadd.s32 $0xFFFFFFFF  }
0xa5: {  	s26 =	simm.s32 $execute0_lowered;
	[smem:$0x3FD2] =	sst s25  }
0xa6: {  	s5 =	sshll.u32 s26, $0x1;
	_ =	strace $0x80000046;
	[dreg:$0x1] =	wrdreg $0xFFFFFFFF  }
0xa7: {  	s28 =	simm.s32 $_size_execute0_lowered;
	s3 =	sadd.s32 s3, s5;
	[dreg:$0x0] =	wrdreg $0x0  }
0xa8: {  	s5 =	sshll.u32 s28, $0x1;
	[dreg:$0x2] =	wrdreg s3  }
0xa9: {  	[dreg:$0x3] =	wrdreg s5  }
0xaa: {  	[dreg:$0x4] =	wrdreg $0xC0  }
0xab: {  	_ =	task [dreg:s7], $0x5FFFF  }
0xac: {  	[dreg:$0x1] =	wrdreg $0xFFFFFFFF  }
0xad: {  	[dreg:$0x0] =	wrdreg $0x60  }
0xae: {  	[dreg:$0x2] =	wrdreg s2  }
0xaf: {  	[dreg:$0x3] =	wrdreg s24  }
0xb0: {  	[dreg:$0x4] =	wrdreg $0x0  }
0xb1: {  	[dreg:$0x5] =	wrdreg $0x9  }
0xb2: {  	_ =	task.clear_ibuf [dreg:s7], $0x6FFFF;
	_ =	strace $0x90000046  }
0xb3: {  	s29 =	simm.s32 $0x9;
	_ =	strace $0x80000048  }
0xb4: {  	_ =	swait.ge [sflag:s29], $0x1  }
0xb5: {  	[sflag:s29] =	ssyncadd.s32 $0xFFFFFFFF  }
0xb6: {  	_ =	strace $0x90000048  }
0xb7: {  	_ =	sfence  }
0xb8: {  	s30 =	sld [smem:$0x0];
	_ =	sdelay $0x2  }
0xb9: {  	s31 =	sshll.u32 s1, $0xD;
	s1 =	sshrl.u32 s1, $0x2  }
0xba: {  	s3 =	sand.u32 $0x4000, s31;
	s1 =	sadd.s32 s1, s30  }
0xbb: {  	s0 =	sor.u32 s3, s0;
	s1 =	sshll.u32 s1, $0x11  }
0xbc: {  	s0 =	sor.u32 s1, s0  }
0xbd: {  	s0 =	sadd.s32 $0x8F2B, s0  }
0xbe: {  	[sflag:s0] =	ssyncadd.remote.s32 $0x1  }
0xbf: {  	_ =	sfence.sel $0xFFFF  }
0xc0: {  	[dreg:$0x0] =	wrdreg $0xFFFFFFFF;
	(pc) =	sbr.abs _section_cstart, $3  }
0xc1: {  	[dreg:$0x1] =	wrdreg $0xFFFFFFFF  }
0xc2: {  	_ =	task.clear_ibuf [dreg:s7], $0x2FFFF;
	_ =	strace $0x9FFFFFFF  }
0xc3: {  	(tm) =	ssettm $0x7FFFFFFF  }
tec
execute0_lowered:
.L_overlay_start_1:
0x0: {  	(tag) =	ssettag $0x1  }
0x1: {  	s8 =	rddreg [dreg:$0x0]  }
0x2: {  	s2 =	rddreg [dreg:$0x1]  }
0x3: {  	s3 =	rddreg [dreg:$0x2]  }
0x4: {  	s4 =	srdreg.scid;
	s0 =	rddreg [dreg:$0x3]  }
0x5: {  	s1 =	simm.s32 $0x0;
	s16 =	simm.s32 $0x2;
	s18 =	simm.s32 $0x3  }
0x6: {  	s19 =	simm.s32 $0x4;
	s4 =	sand.u32 $0x1, s4;
	[smem:$0x7FF] =	sst s1  }
0x7: {  	s9 =	sadd.s32 $0x800, s2;
	s2 =	stileid.u32;
	s5 =	ssub.s32 $0x2, s4  }
0x8: {  	_ =	strace $0x80000047;
	s11 =	sshll.u32 s2, $0x13;
	s12 =	sshll.u32 s4, $0x12  }
0x9: {  	s30 =	sshll.u32 s2, $0x10;
	s17 =	sshll.u32 s2, $0x6;
	s6 =	sshrl.u32 s5, $0x1  }
0xa: {  	s31 =	sor.u32 s12, s11;
	s13 =	sadd.s32 s30, s3;
	s4 =	sor.u32 $0x1C01, s17  }
0xb: {  	s15 =	sadd.s32 s11, s8;
	s11 =	sadd.s32 s11, s9;
	s10 =	ssub.s32 s5, s6  }
0xc: {  	s3 =	sadd.s32 s8, s31;
	s7 =	sadd.s32 s31, s9;
	s14 =	sadd.s32 $0x8000, s13  }
0xd: {  	s9 =	sadd.s32 s12, s15;
	s15 =	sor.u32 $0x1C03, s17;
	s5 =	sadd.s32 $0x1000, s3  }
0xe: {  	s6 =	sadd.s32 $0x3E000, s7;
	s7 =	sadd.s32 $0x3F000, s7;
	s8 =	smax.u32 s10, $0x1  }
0xf: {  	s10 =	sadd.s32 s12, s11;
	s11 =	sshrl.u32 s13, $0x3;
	s12 =	sor.u32 $0x1C02, s17  }
0x10: {  	s13 =	sshrl.u32 s14, $0x3;
	s14 =	simm.s32 $0x1;
	s17 =	sor.u32 $0x1C04, s17  }
.LBB2_1:
0x11: {  	[spmem:s11], [sflag:s4] =	dma.local [hbm:s3], $0x1000  }
0x12: {  	[spmem:s13], [sflag:s12] =	dma.local [hbm:s5], $0x1000  }
0x13: {  	_ =	swait.ge [sflag:s14], $0x1000  }
0x14: {  	[sflag:s14] =	ssyncset.done $0x0  }
0x15: {  	s20 =	sadd.s32 $0x0, s10;
	[sflag:s14] =	ssyncadd.s32 $0xFFFFF000  }
0x16: {  	[hbm:s20], [sflag:s15] =	dma.local [spmem:s11], $0x1000  }
0x17: {  	_ =	swait.ge [sflag:s16], $0x1000  }
0x18: {  	[sflag:s16] =	ssyncset.done $0x0  }
0x19: {  	s20 =	sadd.s32 $0x1000, s20;
	[sflag:s16] =	ssyncadd.s32 $0xFFFFF000  }
0x1a: {  	[hbm:s20], [sflag:s17] =	dma.local [spmem:s13], $0x1000  }
0x1b: {  	_ =	swait.ge [sflag:s18], $0x1000  }
0x1c: {  	s21 =	sadd.s32 $0x0, s9;
	[sflag:s18] =	ssyncset.done $0x0  }
0x1d: {  	s31 =	sadd.s32 $0x2000, s21;
	[sflag:s18] =	ssyncadd.s32 $0xFFFFF000  }
0x1e: {  	[spmem:s11], [sflag:s4] =	dma.local [hbm:s31], $0x1000  }
0x1f: {  	_ =	swait.ge [sflag:s19], $0x1000  }
0x20: {  	[sflag:s19] =	ssyncset.done $0x0  }
0x21: {  	s21 =	sadd.s32 $0x3000, s21;
	s20 =	simm.s32 $0x2000;
	[sflag:s19] =	ssyncadd.s32 $0xFFFFF000  }
.LBB2_2:
0x22: {  	[spmem:s13], [sflag:s12] =	dma.local [hbm:s21], $0x1000  }
0x23: {  	s21 =	smov.u32 s20  }
0x24: {  	p0 =	sne.s32 s20, $0x3C000;
	s20 =	sadd.s32 $0x2000, s20;
	_ =	swait.ge [sflag:s14], $0x1000  }
0x25: {  	[sflag:s14] =	ssyncset.done $0x0  }
0x26: {  	s22 =	sadd.s32 s21, s10;
	[sflag:s14] =	ssyncadd.s32 $0xFFFFF000  }
0x27: {  	[hbm:s22], [sflag:s15] =	dma.local [spmem:s11], $0x1000  }
0x28: {  	_ =	swait.ge [sflag:s16], $0x1000  }
0x29: {  	[sflag:s16] =	ssyncset.done $0x0  }
0x2a: {  	s22 =	sadd.s32 $0x1000, s22;
	[sflag:s16] =	ssyncadd.s32 $0xFFFFF000  }
0x2b: {  	[hbm:s22], [sflag:s17] =	dma.local [spmem:s13], $0x1000  }
0x2c: {  	_ =	swait.ge [sflag:s18], $0x1000  }
0x2d: {  	s21 =	sadd.s32 s21, s9;
	[sflag:s18] =	ssyncset.done $0x0  }
.Ltmp0:
0x2e: {  	s22 =	sadd.s32 $0x2000, s21;
	[sflag:s18] =	ssyncadd.s32 $0xFFFFF000;
	(pc) =	sbr.rel @p0 .LBB2_2-.Ltmp0, $4  }
0x2f: {  	[spmem:s11], [sflag:s4] =	dma.local [hbm:s22], $0x1000  }
0x30: {  	_ =	swait.ge [sflag:s19], $0x1000  }
0x31: {  	[sflag:s19] =	ssyncset.done $0x0  }
0x32: {  	s21 =	sadd.s32 $0x3000, s21;
	[sflag:s19] =	ssyncadd.s32 $0xFFFFF000  }
0x33: {  	[spmem:s13], [sflag:s12] =	dma.local [hbm:s21], $0x1000  }
0x34: {  	_ =	swait.ge [sflag:s14], $0x1000  }
0x35: {  	[sflag:s14] =	ssyncset.done $0x0  }
0x36: {  	[sflag:s14] =	ssyncadd.s32 $0xFFFFF000  }
0x37: {  	[hbm:s6], [sflag:s15] =	dma.local [spmem:s11], $0x1000  }
0x38: {  	_ =	swait.ge [sflag:s16], $0x1000  }
0x39: {  	[sflag:s16] =	ssyncset.done $0x0  }
0x3a: {  	s1 =	sadd.s32 $0x1, s1;
	[sflag:s16] =	ssyncadd.s32 $0xFFFFF000  }
0x3b: {  	[hbm:s7], [sflag:s17] =	dma.local [spmem:s13], $0x1000  }
0x3c: {  	p0 =	sne.s32 s1, s8;
	_ =	swait.ge [sflag:s18], $0x1000  }
.Ltmp1:
0x3d: {  	[sflag:s18] =	ssyncset.done $0x0;
	(pc) =	sbr.rel @p0 .LBB2_1-.Ltmp1, $4  }
0x3e: {  	[sflag:s18] =	ssyncadd.s32 $0xFFFFF000  }
0x3f: {  	_ =	swait.ge [sflag:s19], $0x1000  }
0x40: {  	[sflag:s19] =	ssyncset.done $0x0  }
0x41: {  	[sflag:s19] =	ssyncadd.s32 $0xFFFFF000  }
0x42: {  	_ =	sfence.sel $0x180000  }
0x43: {  	[bflag:$0x0] =	sbarrier.arrive $0xFFFF  }
0x44: {  	p0 =	sne.s32 s2, $0x0;
	_ =	strace $0x90000047  }
0x45: {  	s0 =	sadd.s32 @!p0 $0x100000, s0;
	[bflag:$0x2] =	sbarrier.arrive $0xFFFF  }
0x46: {  	[sflag:s0] =	ssyncadd.tile.s32 @!p0 $0x1;
	_ =	shalt  }
.Lfunc_end2:
_tile_overlayer_lowered:
.L_overlay_start_2:
0x47: {  	(tag) =	ssettag $0x2  }
0x48: {  	s0 =	rddreg [dreg:$0x0];
	s2 =	stileid.u32  }
0x49: {  	s1 =	rddreg [dreg:$0x1];
	p0 =	sne.s32 s2, $0x0  }
0x4a: {  	s3 =	rddreg [dreg:$0x2];
	[bflag:$0x3] =	sbarrier.arrive $0xFFFF;
	s2 =	simm.s32 @!p0 $0x1C05  }
0x4b: {  	[timem:s3], [sflag:s2] =	dma.local @!p0 [hbm:s0], s1  }
0x4c: {  	s0 =	simm.s32 @!p0 $0x5  }
0x4d: {  	_ =	swait.ge @!p0 [sflag:s0], s1  }
0x4e: {  	s1 =	ssub.s32 @!p0 $0x0, s1;
	[sflag:s0] =	ssyncset.done @!p0 $0x0  }
0x4f: {  	[sflag:s0] =	ssyncadd.s32 @!p0 s1  }
0x50: {  	[bflag:$0x3] =	sbarrier.arrive $0xFFFF  }
0x51: {  	_ =	shalt  }

// kernel: sparse-core-data-format-call.cloned.1.call-start
scs
called_computation_lowered:
.L_overlay_start_0:
0x0: {  	s2 =	sld [smem:$0x3FD9]  }
0x1: {  	s3 =	sld [smem:$0x3FFE];
	_ =	sdelay $0x1  }
0x2: {  	s1 =	srdreg.scid  }
0x3: {  	s0 =	sand.u32 $0x1, s1  }
0x4: {  	s18 =	sshll.u32 s0, $0xA;
	s2 =	sadd.s32 s3, s2  }
0x5: {  	s2 =	sadd.s32 s2, s18  }
0x6: {  	[smem:$0x3FC7] =	sst s2  }
0x7: {  	_ = 	snop  }
0x8: {  	s2 =	sld [smem:$0x3FD0];
	(tm) =	ssettm $0x1  }
0x9: {  	s19 =	sld [smem:$0x3FFB];
	_ =	sdelay $0x3  }
0xa: {  	_ =	strace s19  }
0xb: {  	s3 =	sld [smem:$0x3FFC];
	_ =	sdelay $0x3  }
0xc: {  	_ =	strace s3  }
0xd: {  	s3 =	sld [smem:$0x3FFD];
	_ =	sdelay $0x3  }
0xe: {  	_ =	strace s3  }
0xf: {  	_ =	strace $0x8FFFFFFF  }
0x10: {  	s20 =	sld [smem:$0x3FDB];
	_ =	sdelay $0x1  }
0x11: {  	s4 =	simm.s32 $_scs_section_size  }
0x12: {  	s5 =	simm.s32 $_size__tile_overlayer_lowered;
	s6 =	simm.s32 $_tile_overlayer_lowered  }
0x13: {  	s23 =	simm.s32 $0x1BFF;
	s22 =	sshll.u32 s6, $0x1;
	s3 =	sadd.s32 s4, s20  }
0x14: {  	s7 =	simm.s32 $0x0;
	s21 =	sshll.u32 s5, $0x1;
	s5 =	sadd.s32 s22, s3  }
0x15: {  	[timem:s7], [sflag:s23] =	dma.local [hbm:s5], s21  }
0x16: {  	_ =	swait.ge [sflag:s23], s21  }
0x17: {  	s4 =	ssub.s32 $0x0, s21;
	[sflag:s23] =	ssyncset.done $0x0  }
0x18: {  	[sflag:s23] =	ssyncadd.s32 s4;
	_ =	sdelay $0x1  }
0x19: {  	s24 =	simm.s32 $0x1B8B  }
0x1a: {  	_ =	swait.ge [sflag:s24], $0x1  }
0x1b: {  	[sflag:s24] =	ssyncset.done $0x0  }
0x1c: {  	s26 =	simm.s32 $0x1B8E;
	s25 =	sld [smem:$0x3FFE];
	[sflag:s24] =	ssyncadd.s32 $0xFFFFFFFF  }
0x1d: {  	s27 =	simm.s32 $execute0_lowered;
	[smem:$0x3FD2] =	sst s26  }
0x1e: {  	s5 =	sshll.u32 s27, $0x1;
	_ =	strace $0x80000049;
	[dreg:$0x1] =	wrdreg $0xFFFFFFFF  }
0x1f: {  	s28 =	simm.s32 $_size_execute0_lowered;
	s3 =	sadd.s32 s3, s5;
	[dreg:$0x0] =	wrdreg $0x0  }
0x20: {  	s5 =	sshll.u32 s28, $0x1;
	[dreg:$0x2] =	wrdreg s3  }
0x21: {  	[dreg:$0x3] =	wrdreg s5  }
0x22: {  	[dreg:$0x4] =	wrdreg $0xC0  }
0x23: {  	_ =	task [dreg:s7], $0x5FFFF  }
0x24: {  	[dreg:$0x1] =	wrdreg $0xFFFFFFFF  }
0x25: {  	[dreg:$0x0] =	wrdreg $0x60  }
0x26: {  	[dreg:$0x2] =	wrdreg s25  }
0x27: {  	[dreg:$0x3] =	wrdreg s2  }
0x28: {  	[dreg:$0x4] =	wrdreg $0x9  }
0x29: {  	_ =	task.clear_ibuf [dreg:s7], $0x5FFFF;
	_ =	strace $0x90000049  }
0x2a: {  	s29 =	simm.s32 $0x9;
	_ =	strace $0x8000004B  }
0x2b: {  	_ =	swait.ge [sflag:s29], $0x1  }
0x2c: {  	[sflag:s29] =	ssyncadd.s32 $0xFFFFFFFF  }
0x2d: {  	_ =	strace $0x9000004B  }
0x2e: {  	_ =	sfence  }
0x2f: {  	s30 =	sld [smem:$0x0];
	_ =	sdelay $0x2  }
0x30: {  	s31 =	sshll.u32 s1, $0xD;
	s1 =	sshrl.u32 s1, $0x2  }
0x31: {  	s3 =	sand.u32 $0x4000, s31;
	s1 =	sadd.s32 s1, s30  }
0x32: {  	s0 =	sor.u32 s3, s0;
	s1 =	sshll.u32 s1, $0x11  }
0x33: {  	s0 =	sor.u32 s1, s0  }
0x34: {  	s0 =	sadd.s32 $0x8F2B, s0  }
0x35: {  	[sflag:s0] =	ssyncadd.remote.s32 $0x1  }
0x36: {  	_ =	sfence.sel $0xFFFF  }
0x37: {  	[dreg:$0x0] =	wrdreg $0xFFFFFFFF;
	(pc) =	sbr.abs _section_cstart, $3  }
0x38: {  	[dreg:$0x1] =	wrdreg $0xFFFFFFFF  }
0x39: {  	_ =	task.clear_ibuf [dreg:s7], $0x2FFFF;
	_ =	strace $0x9FFFFFFF  }
0x3a: {  	(tm) =	ssettm $0x7FFFFFFF  }
0x3b: {  	_ =	shalt  }
tec
execute0_lowered:
.L_overlay_start_1:
0x0: {  	(tag) =	ssettag $0x1  }
0x1: {  	s0 =	srdreg.scid  }
0x2: {  	s1 =	sshll.u32 s0, $0x4  }
0x3: {  	s6 =	rddreg [dreg:$0x0];
	s0 =	stileid.u32;
	s1 =	sand.u32 $0x10, s1  }
0x4: {  	s3 =	rddreg [dreg:$0x1];
	s5 =	simm.s32 $0x1;
	s1 =	sor.u32 s0, s1  }
0x5: {  	s31 =	simm.s32 $0x2;
	s12 =	simm.s32 $0x0;
	s2 =	sshll.u32 s1, $0x7  }
0x6: {  	s8 =	simm.s32 $0x20000;
	s13 =	simm.s32 $0x0;
	s4 =	ssub.s32 $0x4000, s2  }
0x7: {  	s9 =	simm.s32 $0x0;
	s11 =	simm.s32 $0x0;
	s30 =	sand.u32 $0xF80, s4  }
.Ltmp0:
0x8: {  	s6 =	sadd.s32 $0x800800, s6;
	p0 =	sne.s32 s30, $0x0;
	(pc) =	sbr.rel .LBB1_1-.Ltmp0, $4  }
0x9: {  	s1 =	rddreg [dreg:$0x2];
	s7 =	sshrl.u32 s4, $0xC;
	s5 =	simm.s32 @!p0 $0x0  }
0xa: {  	_ =	strace $0x8000004A;
	s4 =	simm.s32 $0x1;
	s5 =	sadd.s32 s5, s7  }
0xb: {  	s10 =	smov.u32 s2;
	[sflag:s4] =	ssyncpa.u1 $0x0;
	s5 =	sshll.u32 s5, $0x6  }
0xc: {  	[sflag:s31] =	ssyncpa.u1 $0x0;
	p0 =	por $0x0, $0x0;
	s7 =	sor.u32 $0x1, s5  }
.LBB1_4:
0xd: {  	s16 =	sshll.u32 s13, $0x3;
	s17 =	sand.u32 $0x78, s13  }
0xe: {  	s30 =	sand.u32 $0x1F800, s13;
	s12 =	sshll.u32 s12, $0x11;
	s16 =	sand.u32 $0x3C00, s16  }
0xf: {  	[tilespmem:s15+$0x810 ss:$0x81] =	vst.msk $0xffff, v2;
	s31 =	sand.u32 $0x7, s13;
	s16 =	sor.u32 s17, s16;
	s17 =	sadd.s32 s3, s30  }
0x10: {  	[tilespmem:s15+$0x1020 ss:$0x81] =	vst.msk $0xffff, v0;
	s13 =	sshll.u32 s31, $0x12;
	s12 =	sadd.s32 s12, s17;
	s16 =	sshrl.u32 s16, $0x3  }
0x11: {  	[tilespmem:s15+$0x0 ss:$0x81] =	vst.msk $0xffff, v1;
	s13 =	sor.u32 $0x400, s13;
	s12 =	sadd.s32 s16, s12  }
0x12: {  	[hbm4b:s12+s13] =	stream.strided.scatter [tilespmem:s14], [sflag:$0x2], $0x2000, s8, s13, $0x20;
	[tilespmem:$0x8080] =	vst v63  }
.LBB1_5:
0x13: {  	s14 =	sadd.s32 $0x1, s9  }
0x14: {  	s12 =	sadd.s32 $0x1000, s10;
	s16 =	smov.u32 s10;
	p2 =	sgt.s32 s14, $0x3F  }
0x15: {  	s16 =	smov.u32 @p2 s12  }
0x16: {  	s14 =	simm.s32 @p2 $0x0;
	p2 =	sgt.s32 s16, $0x3FFF  }
0x17: {  	s16 =	smov.u32 @p2 s2;
	p2 =	sne.s32 s11, s7  }
.Ltmp1:
0x18: {  	p1 =	slt.u32 s11, $0x2;
	(pc) =	sbr.rel @!p2 .LBB1_6-.Ltmp1, $4  }
0x19: {  	s15 =	simm.s32 @!p1 $0x2  }
0x1a: {  	s13 =	smov.u32 s10;
	p0 =	por !p0, !p0;
	_ =	swait.ge @!p1 [sflag:s15], $0x2000  }
0x1b: {  	s12 =	smov.u32 s9;
	[sflag:s15] =	ssyncset.done @!p1 $0x0;
	s9 =	smov.u32 s14  }
0x1c: {  	s11 =	sadd.s32 $0x1, s11;
	[sflag:s15] =	ssyncadd.s32 @!p1 $0xFFFFE000;
	s10 =	smov.u32 s16  }
.LBB1_1:
0x1d: {  	p1 =	sge.u32 s11, s5  }
0x1e: {  	s31 =	sadd.s32 $0xFFFFFFFF, s11;
	s14 =	sxor.u32 @!p1 $0xFFFFFFFF, s11  }
0x1f: {  	s15 =	sshll.u32 @!p1 s10, $0xA;
	s16 =	sshll.u32 @!p1 s9, $0x4;
	s17 =	simm.s32 @!p1 $0x2000  }
0x20: {  	s14 =	sshll.u32 @!p1 s14, $0xD;
	s16 =	sand.u32 @!p1 $0x3F0, s16;
	s15 =	sadd.s32 @!p1 s6, s15  }
0x21: {  	s14 =	sand.u32 @!p1 $0x2000, s14;
	s15 =	sadd.s32 @!p1 s16, s15;
	s16 =	simm.s32 @!p1 $0x40  }
0x22: {  	[tilespmem:s14], [sflag:$0x1] =	stream.strided.gather @!p1 [hbm4b:s15+s16], $0x2000, s17, s16, $0x38;
	[tilespmem:$0x8080] =	vst v63  }
0x23: {  	p1 =	sge.u32 s31, s5  }
.Ltmp2:
0x24: {  	_ = 	snop;
	(pc) =	sbr.rel @p1 .LBB1_5-.Ltmp2, $1  }
0x25: {  	_ =	sdelay $0x3  }
0x26: {  	s14 =	simm.s32 $0x1  }
0x27: {  	_ =	swait.ge [sflag:s4], $0x2000;
	s14 =	simm.s32 @!p0 $0x0  }
0x28: {  	[sflag:s4] =	ssyncset.done $0x0;
	s15 =	sshll.u32 s14, $0xD  }
0x29: {  	[sflag:s4] =	ssyncadd.s32 $0xFFFFE000;
	s18 =	sor.u32 $0x20, s15  }
0x2a: {  	s14 =	smul.u32 $0x8100, s14;
	v3 =	vld [tilespmem:s18+$0x10]  }
0x2b: {  	s30 =	sand.u32 $0x1, s11;
	v2 =	vld [tilespmem:s18+$0xFFFFFFF0]  }
0x2c: {  	s15 =	smul.u32 $0x8100, s30;
	s14 =	sshrl.u32 s14, $0x2;
	v0 =	vld [tilespmem:s18+$0x0]  }
0x2d: {  	v1 =	vld [tilespmem:s18+$0xFFFFFFE0];
	s16 =	sor.u32 $0x4000, s14  }
0x2e: {  	s31 =	sshrl.u32 s15, $0x2;
	s15 =	sadd.s32 $0x0, s16  }
0x2f: {  	s17 =	simm.s32 $0x4;
	s18 =	sadd.s32 $0x40, s18;
	s14 =	sor.u32 $0x4000, s31;
	[tilespmem:s15+$0x1830 ss:$0x81] =	vst.msk $0xffff, v3  }
.LBB1_3:
0x30: {  	v3 =	vld [tilespmem:s18+$0x10];
	p1 =	sne.s32 s17, $0x1FC;
	[tilespmem:s15+$0x810 ss:$0x81] =	vst.msk $0xffff, v2;
	s19 =	smov.u32 s17;
	s17 =	sadd.s32 $0x4, s17  }
.Ltmp3:
0x31: {  	v2 =	vld [tilespmem:s18+$0xFFFFFFF0];
	[tilespmem:s15+$0x1020 ss:$0x81] =	vst.msk $0xffff, v0;
	(pc) =	sbr.rel @p1 .LBB1_3-.Ltmp3, $4  }
0x32: {  	v0 =	vld [tilespmem:s18+$0x0];
	[tilespmem:s15+$0x0 ss:$0x81] =	vst.msk $0xffff, v1  }
0x33: {  	s15 =	sshra.s32 s19, $0x2;
	v1 =	vld [tilespmem:s18+$0xFFFFFFE0]  }
0x34: {  	s15 =	sadd.s32 s15, s16  }
0x35: {  	s18 =	sadd.s32 $0x40, s18;
	[tilespmem:s15+$0x1830 ss:$0x81] =	vst.msk $0xffff, v3  }
.Ltmp4:
0x36: {  	_ = 	snop;
	(pc) =	sbr.rel .LBB1_4-.Ltmp4, $1  }
0x37: {  	_ =	sdelay $0x3  }
.LBB1_6:
0x38: {  	_ =	sfence.sel $0x180000  }
0x39: {  	s2 =	simm.s32 $0x1;
	[bflag:$0x0] =	sbarrier.arrive $0xFFFF  }
0x3a: {  	s31 =	simm.s32 $0x2;
	[sflag:s2] =	ssyncpa.u1 $0x1  }
0x3b: {  	[sflag:s31] =	ssyncpa.u1 $0x1  }
0x3c: {  	p0 =	sne.s32 s0, $0x0;
	_ =	strace $0x9000004A  }
0x3d: {  	s0 =	sadd.s32 @!p0 $0x100000, s1;
	[bflag:$0x2] =	sbarrier.arrive $0xFFFF  }
0x3e: {  	[sflag:s0] =	ssyncadd.tile.s32 @!p0 $0x1;
	_ =	shalt  }
.Lfunc_end1:
_tile_overlayer_lowered:
.L_overlay_start_2:
0x3f: {  	(tag) =	ssettag $0x2  }
0x40: {  	s0 =	rddreg [dreg:$0x0];
	s2 =	stileid.u32  }
0x41: {  	s1 =	rddreg [dreg:$0x1];
	p0 =	sne.s32 s2, $0x0  }
0x42: {  	s3 =	rddreg [dreg:$0x2];
	[bflag:$0x3] =	sbarrier.arrive $0xFFFF;
	s2 =	simm.s32 @!p0 $0x1C01  }
0x43: {  	[timem:s3], [sflag:s2] =	dma.local @!p0 [hbm:s0], s1  }
0x44: {  	s0 =	simm.s32 @!p0 $0x1  }
0x45: {  	_ =	swait.ge @!p0 [sflag:s0], s1  }
0x46: {  	s1 =	ssub.s32 @!p0 $0x0, s1;
	[sflag:s0] =	ssyncset.done @!p0 $0x0  }
0x47: {  	[sflag:s0] =	ssyncadd.s32 @!p0 s1  }
0x48: {  	[bflag:$0x3] =	sbarrier.arrive $0xFFFF  }
0x49: {  	_ =	shalt  }

</sc_bundles>
